<compile_context>
chip_gen: v7x
topology: tpu7x:2x2x1
jax: 0.10.2.dev20260603
libtpu: 0.0.44.dev20260713+nightly
codegen_flags: <defaults>
</compile_context>

<pallas_src>
import jax
import jax.numpy as jnp
from jax import lax
from jax.experimental import pallas as pl
from jax.experimental.pallas import tpu as pltpu
from jax.experimental.pallas import tpu_sc as plsc

N_NODES = 100000
N_EDGES = 6400000
NPAD = 100352

NC = 2
NS = 16
L = 16
NW = NC * NS
EPW = N_EDGES // NW
CHA = 4000
NCHA = EPW // CHA
CHC = 2000
NCHC = EPW // CHC
NB_T = 25
NPT = N_NODES // NB_T

_MESH = dict(core_axis_name="c", subcore_axis_name="s", num_cores=NC,
             num_subcores=NS)
_PARAMS = dict(
    mesh=plsc.VectorSubcoreMesh(**_MESH),
    compiler_params=pltpu.CompilerParams(needs_layout_passes=False),
)


def _wid():
    return lax.axis_index("s") * NC + lax.axis_index("c")



def _deg_body(row_hbm, ew_hbm, part_hbm,
              rb0, rb1, wb0, wb1, deg, sr0, sr1, sw0, sw1):
    wid = _wid()
    ebase = wid * EPW
    bufs = ((rb0, wb0, sr0, sw0), (rb1, wb1, sr1, sw1))
    zeros16 = jnp.zeros((L,), jnp.float32)

    def zinit(i, _):
        deg[pl.ds(i * L, L)] = zeros16
        return 0
    lax.fori_loop(0, NPAD // L, zinit, 0, unroll=8)

    def issue(b, c):
        base = ebase + c * CHA
        rb, wb, sr, sw = bufs[b]
        pltpu.async_copy(row_hbm.at[pl.ds(base, CHA)], rb, sr)
        pltpu.async_copy(ew_hbm.at[pl.ds(base, CHA)], wb, sw)

    issue(0, 0)
    issue(1, 1)

    def outer(g, _):
        for b in range(2):
            cg = g * 2 + b
            rb, wb, sr, sw = bufs[b]
            pltpu.make_async_copy(row_hbm.at[pl.ds(0, CHA)], rb, sr).wait()
            pltpu.make_async_copy(ew_hbm.at[pl.ds(0, CHA)], wb, sw).wait()

            def body(j, _):
                s = pl.ds(j * L, L)
                plsc.addupdate_scatter(deg, [rb[s]], wb[s])
                return 0
            lax.fori_loop(0, CHA // L, body, 0, unroll=4)

            @pl.when(cg + 2 < NCHA)
            def _():
                issue(b, cg + 2)
        return 0
    lax.fori_loop(0, NCHA // 2, outer, 0)

    pltpu.sync_copy(deg, part_hbm.at[pl.ds(wid * NPAD, NPAD)])


@jax.jit
def _deg_kernel(row, edge_weight):
    return pl.kernel(
        _deg_body,
        out_type=jax.ShapeDtypeStruct((NW * NPAD,), jnp.float32),
        scratch_types=[
            pltpu.VMEM((CHA,), jnp.int32),
            pltpu.VMEM((CHA,), jnp.int32),
            pltpu.VMEM((CHA,), jnp.float32),
            pltpu.VMEM((CHA,), jnp.float32),
            pltpu.VMEM((NPAD,), jnp.float32),
            pltpu.SemaphoreType.DMA,
            pltpu.SemaphoreType.DMA,
            pltpu.SemaphoreType.DMA,
            pltpu.SemaphoreType.DMA,
        ],
        **_PARAMS,
    )(row, edge_weight)



_NRING = 4
NPB = NPAD // NW


def _rsqrt16(x):
    xi = plsc.bitcast(x, jnp.int32)
    yi = jnp.full((L,), 0x5F3759DF, jnp.int32) - lax.shift_right_logical(
        xi, jnp.full((L,), 1, jnp.int32))
    y = plsc.bitcast(yi, jnp.float32)
    half = jnp.full((L,), 0.5, jnp.float32)
    three_half = jnp.full((L,), 1.5, jnp.float32)
    for _ in range(3):
        y = y * (three_half - half * x * y * y)
    return y


def _reduce_body(part_hbm, dis_hbm, acc, b0, b1, b2, b3, s0, s1, s2, s3):
    wid = _wid()
    bufs = ((b0, s0), (b1, s1), (b2, s2), (b3, s3))
    base = wid * NPB
    ones16 = jnp.full((L,), 1.0, jnp.float32)

    def issue(r, k):
        buf, sem = bufs[r]
        pltpu.async_copy(
            part_hbm.at[pl.ds(k * NPAD + base, NPB)], buf, sem)

    for r in range(_NRING):
        issue(r, r)

    def init(i, _):
        acc[pl.ds(i * L, L)] = ones16
        return 0
    lax.fori_loop(0, NPB // L, init, 0, unroll=8)

    def outer(g, _):
        for r in range(_NRING):
            k = g * _NRING + r
            buf, sem = bufs[r]
            pltpu.make_async_copy(
                part_hbm.at[pl.ds(0, NPB)], buf, sem).wait()

            def add(i, _):
                s = pl.ds(i * L, L)
                acc[s] = acc[s] + buf[s]
                return 0
            lax.fori_loop(0, NPB // L, add, 0, unroll=8)

            @pl.when(k + _NRING < NW)
            def _():
                issue(r, k + _NRING)
        return 0
    lax.fori_loop(0, NW // _NRING, outer, 0)

    def finish(i, _):
        s = pl.ds(i * L, L)
        acc[s] = _rsqrt16(acc[s])
        return 0
    lax.fori_loop(0, NPB // L, finish, 0, unroll=4)

    pltpu.sync_copy(acc, dis_hbm.at[pl.ds(base, NPB)])


@jax.jit
def _reduce_kernel(part):
    return pl.kernel(
        _reduce_body,
        out_type=jax.ShapeDtypeStruct((NPAD,), jnp.float32),
        scratch_types=[
            pltpu.VMEM((NPB,), jnp.float32),
            pltpu.VMEM((NPB,), jnp.float32),
            pltpu.VMEM((NPB,), jnp.float32),
            pltpu.VMEM((NPB,), jnp.float32),
            pltpu.VMEM((NPB,), jnp.float32),
            pltpu.SemaphoreType.DMA,
            pltpu.SemaphoreType.DMA,
            pltpu.SemaphoreType.DMA,
            pltpu.SemaphoreType.DMA,
        ],
        **_PARAMS,
    )(part)



def _norm_body(row_hbm, col_hbm, ew_hbm, dis_hbm, out_hbm, disb, tbuf,
               rb0, rb1, cb0, cb1, wb0, wb1, ob0, ob1,
               sd, st, sr0, sr1, sc0, sc1, sw0, sw1, so0, so1):
    wid = _wid()
    ebase = wid * EPW
    bufs = ((rb0, cb0, wb0, ob0, sr0, sc0, sw0, so0),
            (rb1, cb1, wb1, ob1, sr1, sc1, sw1, so1))

    cpdis = pltpu.async_copy(dis_hbm, disb, sd)

    def issue(b, c):
        base = ebase + c * CHC
        rb, cb, wb = bufs[b][0], bufs[b][1], bufs[b][2]
        sr, sc, sw = bufs[b][4], bufs[b][5], bufs[b][6]
        pltpu.async_copy(row_hbm.at[pl.ds(base, CHC)], rb, sr)
        pltpu.async_copy(col_hbm.at[pl.ds(base, CHC)], cb, sc)
        pltpu.async_copy(ew_hbm.at[pl.ds(base, CHC)], wb, sw)

    issue(0, 0)
    issue(1, 1)
    cpdis.wait()

    @pl.when(wid < NB_T)
    def _():
        def sbody(i, _):
            v = disb[pl.ds(wid * NPT + i * L, L)]
            tbuf[pl.ds(i * L, L)] = v * v
            return 0
        lax.fori_loop(0, NPT // L, sbody, 0, unroll=4)
        pltpu.async_copy(
            tbuf, out_hbm.at[pl.ds(N_EDGES + wid * NPT, NPT)], st)

    def outer(g, _):
        for b in range(2):
            cg = g * 2 + b
            rb, cb, wb, ob, sr, sc, sw, so = bufs[b]
            pltpu.make_async_copy(row_hbm.at[pl.ds(0, CHC)], rb, sr).wait()
            pltpu.make_async_copy(col_hbm.at[pl.ds(0, CHC)], cb, sc).wait()
            pltpu.make_async_copy(ew_hbm.at[pl.ds(0, CHC)], wb, sw).wait()

            @pl.when(cg >= 2)
            def _():
                pltpu.make_async_copy(
                    ob, out_hbm.at[pl.ds(0, CHC)], so).wait()

            def body(j, _):
                s = pl.ds(j * L, L)
                dr = plsc.load_gather(disb, [rb[s]])
                dc = plsc.load_gather(disb, [cb[s]])
                ob[s] = dr * wb[s] * dc
                return 0
            lax.fori_loop(0, CHC // L, body, 0, unroll=4)

            pltpu.async_copy(ob, out_hbm.at[pl.ds(ebase + cg * CHC, CHC)], so)

            @pl.when(cg + 2 < NCHC)
            def _():
                issue(b, cg + 2)
        return 0
    lax.fori_loop(0, NCHC // 2, outer, 0)

    for b in range(2):
        ob, so = bufs[b][3], bufs[b][7]
        pltpu.make_async_copy(ob, out_hbm.at[pl.ds(0, CHC)], so).wait()

    @pl.when(wid < NB_T)
    def _():
        pltpu.make_async_copy(
            tbuf, out_hbm.at[pl.ds(0, NPT)], st).wait()


@jax.jit
def _norm_kernel(row, col, edge_weight, dis):
    return pl.kernel(
        _norm_body,
        out_type=jax.ShapeDtypeStruct((N_EDGES + N_NODES,), jnp.float32),
        scratch_types=[
            pltpu.VMEM((NPAD,), jnp.float32),
            pltpu.VMEM((NPT,), jnp.float32),
            pltpu.VMEM((CHC,), jnp.int32),
            pltpu.VMEM((CHC,), jnp.int32),
            pltpu.VMEM((CHC,), jnp.int32),
            pltpu.VMEM((CHC,), jnp.int32),
            pltpu.VMEM((CHC,), jnp.float32),
            pltpu.VMEM((CHC,), jnp.float32),
            pltpu.VMEM((CHC,), jnp.float32),
            pltpu.VMEM((CHC,), jnp.float32),
            pltpu.SemaphoreType.DMA,
            pltpu.SemaphoreType.DMA,
            pltpu.SemaphoreType.DMA,
            pltpu.SemaphoreType.DMA,
            pltpu.SemaphoreType.DMA,
            pltpu.SemaphoreType.DMA,
            pltpu.SemaphoreType.DMA,
            pltpu.SemaphoreType.DMA,
            pltpu.SemaphoreType.DMA,
            pltpu.SemaphoreType.DMA,
        ],
        **_PARAMS,
    )(row, col, edge_weight, dis)


def kernel(edge_index, edge_weight):
    row = edge_index[:, 0]
    col = edge_index[:, 1]
    diag = jnp.arange(N_NODES, dtype=edge_index.dtype)
    ei = jnp.concatenate(
        [edge_index, jnp.stack([diag, diag], axis=1)], axis=0)
    part = _deg_kernel(row, edge_weight)
    dis = _reduce_kernel(part)
    normed = _norm_kernel(row, col, edge_weight, dis)
    return (ei, normed)

# --- scband reference (transcript-rebuilt; emitter-appended) ---
"""Pipeline reference for scband-normalize-layer-69801808494705 (READ-ONLY COPY).

The authoritative reference and input builder live on the scoring server;
editing this copy changes nothing except your own understanding.
"""

import jax, jax.numpy as jnp
import numpy as np

N_NODES = 100000
N_EDGES = 6400000


def setup_inputs(seed: int = 0) -> dict:
    key = jax.random.key(seed)
    k1, k2 = jax.random.split(key)
    edge_index = jax.random.randint(k1, (N_EDGES, 2), 0, N_NODES, dtype=jnp.int32)
    edge_weight = jax.random.uniform(k2, (N_EDGES,), dtype=jnp.float32)
    return {"edge_index": edge_index, "edge_weight": edge_weight}


def reference(edge_index, edge_weight):
    norm_adj = -0.5
    fill_weight = 1.0  # improved=False
    n_nodes = N_NODES
    # add_self_loop_edge
    diag_idx = jnp.arange(n_nodes, dtype=edge_index.dtype)
    diagnal_edge_index = jnp.stack([diag_idx, diag_idx], axis=1)
    ei = jnp.concatenate([edge_index, diagnal_edge_index], axis=0)
    diagnal_edge_weight = jnp.full((n_nodes,), fill_weight, dtype=edge_weight.dtype)
    ew = jnp.concatenate([edge_weight, diagnal_edge_weight], axis=0)
    row = ei[:, 0]
    col = ei[:, 1]
    deg = jax.ops.segment_sum(ew, row, num_segments=n_nodes)
    deg_inv_sqrt = jnp.power(deg, norm_adj)
    deg_inv_sqrt = jnp.where(jnp.isinf(deg_inv_sqrt), jnp.zeros_like(deg_inv_sqrt), deg_inv_sqrt)
    deg_inv_sqrt = jnp.where(jnp.isnan(deg_inv_sqrt), jnp.zeros_like(deg_inv_sqrt), deg_inv_sqrt)
    normed_edge_weight = jnp.take(deg_inv_sqrt, row) * ew * jnp.take(deg_inv_sqrt, col)
    return (ei, normed_edge_weight)

if __name__ == "__main__":
    import jax
    _d = setup_inputs()
    print(jax.jit(kernel)(*tuple(_d.values())))

</pallas_src>

<mosaic_0001>
#map = affine_map<(d0, d1) -> (0)>
module attributes {stable_mosaic.version = 14 : i64} {
  func.func @_deg_body(%arg0: i32, %arg1: i32, %arg2: memref<6400000xi32, #tpu.memory_space<hbm>>, %arg3: memref<6400000xf32, #tpu.memory_space<hbm>>, %arg4: memref<3211264xf32, #tpu.memory_space<hbm>>, %arg5: memref<4000xi32, #tpu.memory_space<vmem>>, %arg6: memref<4000xi32, #tpu.memory_space<vmem>>, %arg7: memref<4000xf32, #tpu.memory_space<vmem>>, %arg8: memref<4000xf32, #tpu.memory_space<vmem>>, %arg9: memref<100352xf32, #tpu.memory_space<vmem>>, %arg10: memref<!tpu.dma_semaphore, #tpu.memory_space<semaphore_mem>>, %arg11: memref<!tpu.dma_semaphore, #tpu.memory_space<semaphore_mem>>, %arg12: memref<!tpu.dma_semaphore, #tpu.memory_space<semaphore_mem>>, %arg13: memref<!tpu.dma_semaphore, #tpu.memory_space<semaphore_mem>>) attributes {dimension_semantics = [#tpu.dimension_semantics<core_parallel>, #tpu.dimension_semantics<subcore_parallel>], iteration_bounds = array<i64: 2, 16>, scalar_prefetch = 0 : i64, scratch_operands = 9 : i64, tpu.core_type = #tpu.core_type<sc_vector_subcore>, window_params = [{transform_indices = #map}, {transform_indices = #map}, {transform_indices = #map}]} {
    %mul3A = arith.constant 2 : i32
    %mul3A_0 = arith.muli %arg1, %mul3A : i32
    %add3A = arith.addi %mul3A_0, %arg0 : i32
    %mul3A_1 = arith.constant 200000 : i32
    %mul3A_2 = arith.muli %add3A, %mul3A_1 : i32
    %broadcast_in_dim3A = arith.constant 0.000000e+00 : f32
    %broadcast_in_dim3A_3 = vector.broadcast %broadcast_in_dim3A : f32 to vector<16xf32>
    %scan3A = arith.constant 0 : i32
    %scan3A_4 = arith.constant 0 : i32
    %scan3A_5 = arith.constant 6272 : i32
    %scan3A_6 = arith.addi %scan3A_4, %scan3A_5 : i32
    %scan3A_7 = arith.constant 8 : i32
    %scan3A_8 = scf.for %scan3A_30 = %scan3A_4 to %scan3A_6 step %scan3A_7 iter_args(%scan3A_31 = %scan3A) -> (i32)  : i32 {
      %mul3A_32 = arith.constant 16 : i32
      %mul3A_33 = arith.muli %scan3A_30, %mul3A_32 : i32
      %swap3A = arith.index_cast %mul3A_33 : i32 to index
      %swap3A_34 = tpu.vector_load %arg9[%swap3A] {strides = array<i32>} : memref<100352xf32, #tpu.memory_space<vmem>>, vector<16xf32>,
      tpu.vector_store %arg9[%swap3A], %broadcast_in_dim3A_3 {strides = array<i32>} : memref<100352xf32, #tpu.memory_space<vmem>>, vector<16xf32>,
      %scan3A_35 = arith.constant 0 : i32
      %scan3A_36 = arith.constant 1 : i32
      %scan3A_37 = arith.addi %scan3A_30, %scan3A_36 : i32
      %mul3A_38 = arith.constant 16 : i32
      %mul3A_39 = arith.muli %scan3A_37, %mul3A_38 : i32
      %swap3A_40 = arith.index_cast %mul3A_39 : i32 to index
      %swap3A_41 = tpu.vector_load %arg9[%swap3A_40] {strides = array<i32>} : memref<100352xf32, #tpu.memory_space<vmem>>, vector<16xf32>,
      tpu.vector_store %arg9[%swap3A_40], %broadcast_in_dim3A_3 {strides = array<i32>} : memref<100352xf32, #tpu.memory_space<vmem>>, vector<16xf32>,
      %scan3A_42 = arith.constant 0 : i32
      %scan3A_43 = arith.constant 2 : i32
      %scan3A_44 = arith.addi %scan3A_30, %scan3A_43 : i32
      %mul3A_45 = arith.constant 16 : i32
      %mul3A_46 = arith.muli %scan3A_44, %mul3A_45 : i32
      %swap3A_47 = arith.index_cast %mul3A_46 : i32 to index
      %swap3A_48 = tpu.vector_load %arg9[%swap3A_47] {strides = array<i32>} : memref<100352xf32, #tpu.memory_space<vmem>>, vector<16xf32>,
      tpu.vector_store %arg9[%swap3A_47], %broadcast_in_dim3A_3 {strides = array<i32>} : memref<100352xf32, #tpu.memory_space<vmem>>, vector<16xf32>,
      %scan3A_49 = arith.constant 0 : i32
      %scan3A_50 = arith.constant 3 : i32
      %scan3A_51 = arith.addi %scan3A_30, %scan3A_50 : i32
      %mul3A_52 = arith.constant 16 : i32
      %mul3A_53 = arith.muli %scan3A_51, %mul3A_52 : i32
      %swap3A_54 = arith.index_cast %mul3A_53 : i32 to index
      %swap3A_55 = tpu.vector_load %arg9[%swap3A_54] {strides = array<i32>} : memref<100352xf32, #tpu.memory_space<vmem>>, vector<16xf32>,
      tpu.vector_store %arg9[%swap3A_54], %broadcast_in_dim3A_3 {strides = array<i32>} : memref<100352xf32, #tpu.memory_space<vmem>>, vector<16xf32>,
      %scan3A_56 = arith.constant 0 : i32
      %scan3A_57 = arith.constant 4 : i32
      %scan3A_58 = arith.addi %scan3A_30, %scan3A_57 : i32
      %mul3A_59 = arith.constant 16 : i32
      %mul3A_60 = arith.muli %scan3A_58, %mul3A_59 : i32
      %swap3A_61 = arith.index_cast %mul3A_60 : i32 to index
      %swap3A_62 = tpu.vector_load %arg9[%swap3A_61] {strides = array<i32>} : memref<100352xf32, #tpu.memory_space<vmem>>, vector<16xf32>,
      tpu.vector_store %arg9[%swap3A_61], %broadcast_in_dim3A_3 {strides = array<i32>} : memref<100352xf32, #tpu.memory_space<vmem>>, vector<16xf32>,
      %scan3A_63 = arith.constant 0 : i32
      %scan3A_64 = arith.constant 5 : i32
      %scan3A_65 = arith.addi %scan3A_30, %scan3A_64 : i32
      %mul3A_66 = arith.constant 16 : i32
      %mul3A_67 = arith.muli %scan3A_65, %mul3A_66 : i32
      %swap3A_68 = arith.index_cast %mul3A_67 : i32 to index
      %swap3A_69 = tpu.vector_load %arg9[%swap3A_68] {strides = array<i32>} : memref<100352xf32, #tpu.memory_space<vmem>>, vector<16xf32>,
      tpu.vector_store %arg9[%swap3A_68], %broadcast_in_dim3A_3 {strides = array<i32>} : memref<100352xf32, #tpu.memory_space<vmem>>, vector<16xf32>,
      %scan3A_70 = arith.constant 0 : i32
      %scan3A_71 = arith.constant 6 : i32
      %scan3A_72 = arith.addi %scan3A_30, %scan3A_71 : i32
      %mul3A_73 = arith.constant 16 : i32
      %mul3A_74 = arith.muli %scan3A_72, %mul3A_73 : i32
      %swap3A_75 = arith.index_cast %mul3A_74 : i32 to index
      %swap3A_76 = tpu.vector_load %arg9[%swap3A_75] {strides = array<i32>} : memref<100352xf32, #tpu.memory_space<vmem>>, vector<16xf32>,
      tpu.vector_store %arg9[%swap3A_75], %broadcast_in_dim3A_3 {strides = array<i32>} : memref<100352xf32, #tpu.memory_space<vmem>>, vector<16xf32>,
      %scan3A_77 = arith.constant 0 : i32
      %scan3A_78 = arith.constant 7 : i32
      %scan3A_79 = arith.addi %scan3A_30, %scan3A_78 : i32
      %mul3A_80 = arith.constant 16 : i32
      %mul3A_81 = arith.muli %scan3A_79, %mul3A_80 : i32
      %swap3A_82 = arith.index_cast %mul3A_81 : i32 to index
      %swap3A_83 = tpu.vector_load %arg9[%swap3A_82] {strides = array<i32>} : memref<100352xf32, #tpu.memory_space<vmem>>, vector<16xf32>,
      tpu.vector_store %arg9[%swap3A_82], %broadcast_in_dim3A_3 {strides = array<i32>} : memref<100352xf32, #tpu.memory_space<vmem>>, vector<16xf32>,
      %scan3A_84 = arith.constant 0 : i32
      scf.yield %scan3A_84 : i32
    }
    %scan3A_9 = arith.constant 6272 : i32
    %add3A_10 = arith.constant 0 : i32
    %add3A_11 = arith.addi %mul3A_2, %add3A_10 : i32
    %dma_start3A = tpu.memref_slice %arg2[%add3A_11] : memref<6400000xi32, #tpu.memory_space<hbm>> -> memref<4000xi32, #tpu.memory_space<hbm>>
    %dma_start3A_12 = tpu.memref_slice %arg2[%add3A_11] : memref<6400000xi32, #tpu.memory_space<hbm>> -> memref<4000xi32, #tpu.memory_space<hbm>>
    tpu.enqueue_dma source(%dma_start3A_12 : memref<4000xi32, #tpu.memory_space<hbm>>) target(%arg5 : memref<4000xi32, #tpu.memory_space<vmem>>) target_semaphore(%arg10 : memref<!tpu.dma_semaphore, #tpu.memory_space<semaphore_mem>>)
    %dma_start3A_13 = tpu.memref_slice %arg3[%add3A_11] : memref<6400000xf32, #tpu.memory_space<hbm>> -> memref<4000xf32, #tpu.memory_space<hbm>>
    %dma_start3A_14 = tpu.memref_slice %arg3[%add3A_11] : memref<6400000xf32, #tpu.memory_space<hbm>> -> memref<4000xf32, #tpu.memory_space<hbm>>
    tpu.enqueue_dma source(%dma_start3A_14 : memref<4000xf32, #tpu.memory_space<hbm>>) target(%arg7 : memref<4000xf32, #tpu.memory_space<vmem>>) target_semaphore(%arg12 : memref<!tpu.dma_semaphore, #tpu.memory_space<semaphore_mem>>)
    %add3A_15 = arith.constant 4000 : i32
    %add3A_16 = arith.addi %mul3A_2, %add3A_15 : i32
    %dma_start3A_17 = tpu.memref_slice %arg2[%add3A_16] : memref<6400000xi32, #tpu.memory_space<hbm>> -> memref<4000xi32, #tpu.memory_space<hbm>>
    %dma_start3A_18 = tpu.memref_slice %arg2[%add3A_16] : memref<6400000xi32, #tpu.memory_space<hbm>> -> memref<4000xi32, #tpu.memory_space<hbm>>
    tpu.enqueue_dma source(%dma_start3A_18 : memref<4000xi32, #tpu.memory_space<hbm>>) target(%arg6 : memref<4000xi32, #tpu.memory_space<vmem>>) target_semaphore(%arg11 : memref<!tpu.dma_semaphore, #tpu.memory_space<semaphore_mem>>)
    %dma_start3A_19 = tpu.memref_slice %arg3[%add3A_16] : memref<6400000xf32, #tpu.memory_space<hbm>> -> memref<4000xf32, #tpu.memory_space<hbm>>
    %dma_start3A_20 = tpu.memref_slice %arg3[%add3A_16] : memref<6400000xf32, #tpu.memory_space<hbm>> -> memref<4000xf32, #tpu.memory_space<hbm>>
    tpu.enqueue_dma source(%dma_start3A_20 : memref<4000xf32, #tpu.memory_space<hbm>>) target(%arg8 : memref<4000xf32, #tpu.memory_space<vmem>>) target_semaphore(%arg13 : memref<!tpu.dma_semaphore, #tpu.memory_space<semaphore_mem>>)
    %scan3A_21 = arith.constant 0 : i32
    %scan3A_22 = arith.constant 0 : i32
    %scan3A_23 = arith.constant 25 : i32
    %scan3A_24 = arith.addi %scan3A_22, %scan3A_23 : i32
    %scan3A_25 = arith.constant 1 : i32
    %scan3A_26 = scf.for %scan3A_30 = %scan3A_22 to %scan3A_24 step %scan3A_25 iter_args(%scan3A_31 = %scan3A_21) -> (i32)  : i32 {
      %mul3A_32 = arith.constant 2 : i32
      %mul3A_33 = arith.muli %scan3A_30, %mul3A_32 : i32
      %add3A_34 = arith.constant 0 : i32
      %add3A_35 = arith.addi %mul3A_33, %add3A_34 : i32
      %dma_wait3A = arith.constant 0 : i32
      %dma_wait3A_36 = tpu.memref_slice %arg2[%dma_wait3A] : memref<6400000xi32, #tpu.memory_space<hbm>> -> memref<4000xi32, #tpu.memory_space<hbm>>
      %dma_wait3A_37 = arith.constant 0 : i32
      %dma_wait3A_38 = tpu.memref_slice %arg2[%dma_wait3A_37] : memref<6400000xi32, #tpu.memory_space<hbm>> -> memref<4000xi32, #tpu.memory_space<hbm>>
      tpu.wait_dma2 semaphore(%arg10 : memref<!tpu.dma_semaphore, #tpu.memory_space<semaphore_mem>>) src(%dma_wait3A_38 : memref<4000xi32, #tpu.memory_space<hbm>>) dst(%arg5 : memref<4000xi32, #tpu.memory_space<vmem>>)
      %dma_wait3A_39 = arith.constant 0 : i32
      %dma_wait3A_40 = tpu.memref_slice %arg3[%dma_wait3A_39] : memref<6400000xf32, #tpu.memory_space<hbm>> -> memref<4000xf32, #tpu.memory_space<hbm>>
      %dma_wait3A_41 = arith.constant 0 : i32
      %dma_wait3A_42 = tpu.memref_slice %arg3[%dma_wait3A_41] : memref<6400000xf32, #tpu.memory_space<hbm>> -> memref<4000xf32, #tpu.memory_space<hbm>>
      tpu.wait_dma2 semaphore(%arg12 : memref<!tpu.dma_semaphore, #tpu.memory_space<semaphore_mem>>) src(%dma_wait3A_42 : memref<4000xf32, #tpu.memory_space<hbm>>) dst(%arg7 : memref<4000xf32, #tpu.memory_space<vmem>>)
      %scan3A_43 = arith.constant 0 : i32
      %scan3A_44 = arith.constant 0 : i32
      %scan3A_45 = arith.constant 248 : i32
      %scan3A_46 = arith.addi %scan3A_44, %scan3A_45 : i32
      %scan3A_47 = arith.constant 4 : i32
      %scan3A_48 = scf.for %scan3A_116 = %scan3A_44 to %scan3A_46 step %scan3A_47 iter_args(%scan3A_117 = %scan3A_43) -> (i32)  : i32 {
        %mul3A_118 = arith.constant 16 : i32
        %mul3A_119 = arith.muli %scan3A_116, %mul3A_118 : i32
        %get3A_120 = arith.index_cast %mul3A_119 : i32 to index
        %get3A_121 = tpu.vector_load %arg5[%get3A_120] {strides = array<i32>} : memref<4000xi32, #tpu.memory_space<vmem>>, vector<16xi32>,
        %get3A_122 = arith.index_cast %mul3A_119 : i32 to index
        %get3A_123 = tpu.vector_load %arg7[%get3A_122] {strides = array<i32>} : memref<4000xf32, #tpu.memory_space<vmem>>, vector<16xf32>,
        tpu.vector_store_idx %arg9[%get3A_121], %get3A_123 {add = true} : memref<100352xf32, #tpu.memory_space<vmem>>[vector<16xi32>], vector<16xf32>,
        %scan3A_124 = arith.constant 0 : i32
        %scan3A_125 = arith.constant 1 : i32
        %scan3A_126 = arith.addi %scan3A_116, %scan3A_125 : i32
        %mul3A_127 = arith.constant 16 : i32
        %mul3A_128 = arith.muli %scan3A_126, %mul3A_127 : i32
        %get3A_129 = arith.index_cast %mul3A_128 : i32 to index
        %get3A_130 = tpu.vector_load %arg5[%get3A_129] {strides = array<i32>} : memref<4000xi32, #tpu.memory_space<vmem>>, vector<16xi32>,
        %get3A_131 = arith.index_cast %mul3A_128 : i32 to index
        %get3A_132 = tpu.vector_load %arg7[%get3A_131] {strides = array<i32>} : memref<4000xf32, #tpu.memory_space<vmem>>, vector<16xf32>,
        tpu.vector_store_idx %arg9[%get3A_130], %get3A_132 {add = true} : memref<100352xf32, #tpu.memory_space<vmem>>[vector<16xi32>], vector<16xf32>,
        %scan3A_133 = arith.constant 0 : i32
        %scan3A_134 = arith.constant 2 : i32
        %scan3A_135 = arith.addi %scan3A_116, %scan3A_134 : i32
        %mul3A_136 = arith.constant 16 : i32
        %mul3A_137 = arith.muli %scan3A_135, %mul3A_136 : i32
        %get3A_138 = arith.index_cast %mul3A_137 : i32 to index
        %get3A_139 = tpu.vector_load %arg5[%get3A_138] {strides = array<i32>} : memref<4000xi32, #tpu.memory_space<vmem>>, vector<16xi32>,
        %get3A_140 = arith.index_cast %mul3A_137 : i32 to index
        %get3A_141 = tpu.vector_load %arg7[%get3A_140] {strides = array<i32>} : memref<4000xf32, #tpu.memory_space<vmem>>, vector<16xf32>,
        tpu.vector_store_idx %arg9[%get3A_139], %get3A_141 {add = true} : memref<100352xf32, #tpu.memory_space<vmem>>[vector<16xi32>], vector<16xf32>,
        %scan3A_142 = arith.constant 0 : i32
        %scan3A_143 = arith.constant 3 : i32
        %scan3A_144 = arith.addi %scan3A_116, %scan3A_143 : i32
        %mul3A_145 = arith.constant 16 : i32
        %mul3A_146 = arith.muli %scan3A_144, %mul3A_145 : i32
        %get3A_147 = arith.index_cast %mul3A_146 : i32 to index
        %get3A_148 = tpu.vector_load %arg5[%get3A_147] {strides = array<i32>} : memref<4000xi32, #tpu.memory_space<vmem>>, vector<16xi32>,
        %get3A_149 = arith.index_cast %mul3A_146 : i32 to index
        %get3A_150 = tpu.vector_load %arg7[%get3A_149] {strides = array<i32>} : memref<4000xf32, #tpu.memory_space<vmem>>, vector<16xf32>,
        tpu.vector_store_idx %arg9[%get3A_148], %get3A_150 {add = true} : memref<100352xf32, #tpu.memory_space<vmem>>[vector<16xi32>], vector<16xf32>,
        %scan3A_151 = arith.constant 0 : i32
        scf.yield %scan3A_151 : i32
      }
      %scan3A_49 = arith.constant 248 : i32
      %scan3A_50 = arith.addi %scan3A_44, %scan3A_49 : i32
      %mul3A_51 = arith.constant 16 : i32
      %mul3A_52 = arith.muli %scan3A_50, %mul3A_51 : i32
      %get3A = arith.index_cast %mul3A_52 : i32 to index
      %get3A_53 = tpu.vector_load %arg5[%get3A] {strides = array<i32>} : memref<4000xi32, #tpu.memory_space<vmem>>, vector<16xi32>,
      %get3A_54 = arith.index_cast %mul3A_52 : i32 to index
      %get3A_55 = tpu.vector_load %arg7[%get3A_54] {strides = array<i32>} : memref<4000xf32, #tpu.memory_space<vmem>>, vector<16xf32>,
      tpu.vector_store_idx %arg9[%get3A_53], %get3A_55 {add = true} : memref<100352xf32, #tpu.memory_space<vmem>>[vector<16xi32>], vector<16xf32>,
      %scan3A_56 = arith.constant 0 : i32
      %scan3A_57 = arith.constant 249 : i32
      %scan3A_58 = arith.addi %scan3A_44, %scan3A_57 : i32
      %mul3A_59 = arith.constant 16 : i32
      %mul3A_60 = arith.muli %scan3A_58, %mul3A_59 : i32
      %get3A_61 = arith.index_cast %mul3A_60 : i32 to index
      %get3A_62 = tpu.vector_load %arg5[%get3A_61] {strides = array<i32>} : memref<4000xi32, #tpu.memory_space<vmem>>, vector<16xi32>,
      %get3A_63 = arith.index_cast %mul3A_60 : i32 to index
      %get3A_64 = tpu.vector_load %arg7[%get3A_63] {strides = array<i32>} : memref<4000xf32, #tpu.memory_space<vmem>>, vector<16xf32>,
      tpu.vector_store_idx %arg9[%get3A_62], %get3A_64 {add = true} : memref<100352xf32, #tpu.memory_space<vmem>>[vector<16xi32>], vector<16xf32>,
      %scan3A_65 = arith.constant 0 : i32
      %scan3A_66 = arith.constant 250 : i32
      %add3A_67 = arith.constant 2 : i32
      %add3A_68 = arith.addi %add3A_35, %add3A_67 : i32
      %lt3A = arith.constant 50 : i32
      %lt3A_69 = arith.cmpi slt, %add3A_68, %lt3A : i32
      %convert_element_type3A = arith.extui %lt3A_69 : i1 to i32
      %cond3A = arith.constant 0 : i32
      %cond3A_70 = arith.cmpi ne, %convert_element_type3A, %cond3A : i32
      scf.if %cond3A_70 {
        %add3A_116 = arith.constant 2 : i32
        %add3A_117 = arith.addi %add3A_35, %add3A_116 : i32
        %mul3A_118 = arith.constant 4000 : i32
        %mul3A_119 = arith.muli %add3A_117, %mul3A_118 : i32
        %add3A_120 = arith.addi %mul3A_2, %mul3A_119 : i32
        %dma_start3A_121 = tpu.memref_slice %arg2[%add3A_120] : memref<6400000xi32, #tpu.memory_space<hbm>> -> memref<4000xi32, #tpu.memory_space<hbm>>
        %dma_start3A_122 = tpu.memref_slice %arg2[%add3A_120] : memref<6400000xi32, #tpu.memory_space<hbm>> -> memref<4000xi32, #tpu.memory_space<hbm>>
        tpu.enqueue_dma source(%dma_start3A_122 : memref<4000xi32, #tpu.memory_space<hbm>>) target(%arg5 : memref<4000xi32, #tpu.memory_space<vmem>>) target_semaphore(%arg10 : memref<!tpu.dma_semaphore, #tpu.memory_space<semaphore_mem>>)
        %dma_start3A_123 = tpu.memref_slice %arg3[%add3A_120] : memref<6400000xf32, #tpu.memory_space<hbm>> -> memref<4000xf32, #tpu.memory_space<hbm>>
        %dma_start3A_124 = tpu.memref_slice %arg3[%add3A_120] : memref<6400000xf32, #tpu.memory_space<hbm>> -> memref<4000xf32, #tpu.memory_space<hbm>>
        tpu.enqueue_dma source(%dma_start3A_124 : memref<4000xf32, #tpu.memory_space<hbm>>) target(%arg7 : memref<4000xf32, #tpu.memory_space<vmem>>) target_semaphore(%arg12 : memref<!tpu.dma_semaphore, #tpu.memory_space<semaphore_mem>>)
      } else {
      }
      %mul3A_71 = arith.constant 2 : i32
      %mul3A_72 = arith.muli %scan3A_30, %mul3A_71 : i32
      %add3A_73 = arith.constant 1 : i32
      %add3A_74 = arith.addi %mul3A_72, %add3A_73 : i32
      %dma_wait3A_75 = arith.constant 0 : i32
      %dma_wait3A_76 = tpu.memref_slice %arg2[%dma_wait3A_75] : memref<6400000xi32, #tpu.memory_space<hbm>> -> memref<4000xi32, #tpu.memory_space<hbm>>
      %dma_wait3A_77 = arith.constant 0 : i32
      %dma_wait3A_78 = tpu.memref_slice %arg2[%dma_wait3A_77] : memref<6400000xi32, #tpu.memory_space<hbm>> -> memref<4000xi32, #tpu.memory_space<hbm>>
      tpu.wait_dma2 semaphore(%arg11 : memref<!tpu.dma_semaphore, #tpu.memory_space<semaphore_mem>>) src(%dma_wait3A_78 : memref<4000xi32, #tpu.memory_space<hbm>>) dst(%arg6 : memref<4000xi32, #tpu.memory_space<vmem>>)
      %dma_wait3A_79 = arith.constant 0 : i32
      %dma_wait3A_80 = tpu.memref_slice %arg3[%dma_wait3A_79] : memref<6400000xf32, #tpu.memory_space<hbm>> -> memref<4000xf32, #tpu.memory_space<hbm>>
      %dma_wait3A_81 = arith.constant 0 : i32
      %dma_wait3A_82 = tpu.memref_slice %arg3[%dma_wait3A_81] : memref<6400000xf32, #tpu.memory_space<hbm>> -> memref<4000xf32, #tpu.memory_space<hbm>>
      tpu.wait_dma2 semaphore(%arg13 : memref<!tpu.dma_semaphore, #tpu.memory_space<semaphore_mem>>) src(%dma_wait3A_82 : memref<4000xf32, #tpu.memory_space<hbm>>) dst(%arg8 : memref<4000xf32, #tpu.memory_space<vmem>>)
      %scan3A_83 = arith.constant 0 : i32
      %scan3A_84 = arith.constant 0 : i32
      %scan3A_85 = arith.constant 248 : i32
      %scan3A_86 = arith.addi %scan3A_84, %scan3A_85 : i32
      %scan3A_87 = arith.constant 4 : i32
      %scan3A_88 = scf.for %scan3A_116 = %scan3A_84 to %scan3A_86 step %scan3A_87 iter_args(%scan3A_117 = %scan3A_83) -> (i32)  : i32 {
        %mul3A_118 = arith.constant 16 : i32
        %mul3A_119 = arith.muli %scan3A_116, %mul3A_118 : i32
        %get3A_120 = arith.index_cast %mul3A_119 : i32 to index
        %get3A_121 = tpu.vector_load %arg6[%get3A_120] {strides = array<i32>} : memref<4000xi32, #tpu.memory_space<vmem>>, vector<16xi32>,
        %get3A_122 = arith.index_cast %mul3A_119 : i32 to index
        %get3A_123 = tpu.vector_load %arg8[%get3A_122] {strides = array<i32>} : memref<4000xf32, #tpu.memory_space<vmem>>, vector<16xf32>,
        tpu.vector_store_idx %arg9[%get3A_121], %get3A_123 {add = true} : memref<100352xf32, #tpu.memory_space<vmem>>[vector<16xi32>], vector<16xf32>,
        %scan3A_124 = arith.constant 0 : i32
        %scan3A_125 = arith.constant 1 : i32
        %scan3A_126 = arith.addi %scan3A_116, %scan3A_125 : i32
        %mul3A_127 = arith.constant 16 : i32
        %mul3A_128 = arith.muli %scan3A_126, %mul3A_127 : i32
        %get3A_129 = arith.index_cast %mul3A_128 : i32 to index
        %get3A_130 = tpu.vector_load %arg6[%get3A_129] {strides = array<i32>} : memref<4000xi32, #tpu.memory_space<vmem>>, vector<16xi32>,
        %get3A_131 = arith.index_cast %mul3A_128 : i32 to index
        %get3A_132 = tpu.vector_load %arg8[%get3A_131] {strides = array<i32>} : memref<4000xf32, #tpu.memory_space<vmem>>, vector<16xf32>,
        tpu.vector_store_idx %arg9[%get3A_130], %get3A_132 {add = true} : memref<100352xf32, #tpu.memory_space<vmem>>[vector<16xi32>], vector<16xf32>,
        %scan3A_133 = arith.constant 0 : i32
        %scan3A_134 = arith.constant 2 : i32
        %scan3A_135 = arith.addi %scan3A_116, %scan3A_134 : i32
        %mul3A_136 = arith.constant 16 : i32
        %mul3A_137 = arith.muli %scan3A_135, %mul3A_136 : i32
        %get3A_138 = arith.index_cast %mul3A_137 : i32 to index
        %get3A_139 = tpu.vector_load %arg6[%get3A_138] {strides = array<i32>} : memref<4000xi32, #tpu.memory_space<vmem>>, vector<16xi32>,
        %get3A_140 = arith.index_cast %mul3A_137 : i32 to index
        %get3A_141 = tpu.vector_load %arg8[%get3A_140] {strides = array<i32>} : memref<4000xf32, #tpu.memory_space<vmem>>, vector<16xf32>,
        tpu.vector_store_idx %arg9[%get3A_139], %get3A_141 {add = true} : memref<100352xf32, #tpu.memory_space<vmem>>[vector<16xi32>], vector<16xf32>,
        %scan3A_142 = arith.constant 0 : i32
        %scan3A_143 = arith.constant 3 : i32
        %scan3A_144 = arith.addi %scan3A_116, %scan3A_143 : i32
        %mul3A_145 = arith.constant 16 : i32
        %mul3A_146 = arith.muli %scan3A_144, %mul3A_145 : i32
        %get3A_147 = arith.index_cast %mul3A_146 : i32 to index
        %get3A_148 = tpu.vector_load %arg6[%get3A_147] {strides = array<i32>} : memref<4000xi32, #tpu.memory_space<vmem>>, vector<16xi32>,
        %get3A_149 = arith.index_cast %mul3A_146 : i32 to index
        %get3A_150 = tpu.vector_load %arg8[%get3A_149] {strides = array<i32>} : memref<4000xf32, #tpu.memory_space<vmem>>, vector<16xf32>,
        tpu.vector_store_idx %arg9[%get3A_148], %get3A_150 {add = true} : memref<100352xf32, #tpu.memory_space<vmem>>[vector<16xi32>], vector<16xf32>,
        %scan3A_151 = arith.constant 0 : i32
        scf.yield %scan3A_151 : i32
      }
      %scan3A_89 = arith.constant 248 : i32
      %scan3A_90 = arith.addi %scan3A_84, %scan3A_89 : i32
      %mul3A_91 = arith.constant 16 : i32
      %mul3A_92 = arith.muli %scan3A_90, %mul3A_91 : i32
      %get3A_93 = arith.index_cast %mul3A_92 : i32 to index
      %get3A_94 = tpu.vector_load %arg6[%get3A_93] {strides = array<i32>} : memref<4000xi32, #tpu.memory_space<vmem>>, vector<16xi32>,
      %get3A_95 = arith.index_cast %mul3A_92 : i32 to index
      %get3A_96 = tpu.vector_load %arg8[%get3A_95] {strides = array<i32>} : memref<4000xf32, #tpu.memory_space<vmem>>, vector<16xf32>,
      tpu.vector_store_idx %arg9[%get3A_94], %get3A_96 {add = true} : memref<100352xf32, #tpu.memory_space<vmem>>[vector<16xi32>], vector<16xf32>,
      %scan3A_97 = arith.constant 0 : i32
      %scan3A_98 = arith.constant 249 : i32
      %scan3A_99 = arith.addi %scan3A_84, %scan3A_98 : i32
      %mul3A_100 = arith.constant 16 : i32
      %mul3A_101 = arith.muli %scan3A_99, %mul3A_100 : i32
      %get3A_102 = arith.index_cast %mul3A_101 : i32 to index
      %get3A_103 = tpu.vector_load %arg6[%get3A_102] {strides = array<i32>} : memref<4000xi32, #tpu.memory_space<vmem>>, vector<16xi32>,
      %get3A_104 = arith.index_cast %mul3A_101 : i32 to index
      %get3A_105 = tpu.vector_load %arg8[%get3A_104] {strides = array<i32>} : memref<4000xf32, #tpu.memory_space<vmem>>, vector<16xf32>,
      tpu.vector_store_idx %arg9[%get3A_103], %get3A_105 {add = true} : memref<100352xf32, #tpu.memory_space<vmem>>[vector<16xi32>], vector<16xf32>,
      %scan3A_106 = arith.constant 0 : i32
      %scan3A_107 = arith.constant 250 : i32
      %add3A_108 = arith.constant 2 : i32
      %add3A_109 = arith.addi %add3A_74, %add3A_108 : i32
      %lt3A_110 = arith.constant 50 : i32
      %lt3A_111 = arith.cmpi slt, %add3A_109, %lt3A_110 : i32
      %convert_element_type3A_112 = arith.extui %lt3A_111 : i1 to i32
      %cond3A_113 = arith.constant 0 : i32
      %cond3A_114 = arith.cmpi ne, %convert_element_type3A_112, %cond3A_113 : i32
      scf.if %cond3A_114 {
        %add3A_116 = arith.constant 2 : i32
        %add3A_117 = arith.addi %add3A_74, %add3A_116 : i32
        %mul3A_118 = arith.constant 4000 : i32
        %mul3A_119 = arith.muli %add3A_117, %mul3A_118 : i32
        %add3A_120 = arith.addi %mul3A_2, %mul3A_119 : i32
        %dma_start3A_121 = tpu.memref_slice %arg2[%add3A_120] : memref<6400000xi32, #tpu.memory_space<hbm>> -> memref<4000xi32, #tpu.memory_space<hbm>>
        %dma_start3A_122 = tpu.memref_slice %arg2[%add3A_120] : memref<6400000xi32, #tpu.memory_space<hbm>> -> memref<4000xi32, #tpu.memory_space<hbm>>
        tpu.enqueue_dma source(%dma_start3A_122 : memref<4000xi32, #tpu.memory_space<hbm>>) target(%arg6 : memref<4000xi32, #tpu.memory_space<vmem>>) target_semaphore(%arg11 : memref<!tpu.dma_semaphore, #tpu.memory_space<semaphore_mem>>)
        %dma_start3A_123 = tpu.memref_slice %arg3[%add3A_120] : memref<6400000xf32, #tpu.memory_space<hbm>> -> memref<4000xf32, #tpu.memory_space<hbm>>
        %dma_start3A_124 = tpu.memref_slice %arg3[%add3A_120] : memref<6400000xf32, #tpu.memory_space<hbm>> -> memref<4000xf32, #tpu.memory_space<hbm>>
        tpu.enqueue_dma source(%dma_start3A_124 : memref<4000xf32, #tpu.memory_space<hbm>>) target(%arg8 : memref<4000xf32, #tpu.memory_space<vmem>>) target_semaphore(%arg13 : memref<!tpu.dma_semaphore, #tpu.memory_space<semaphore_mem>>)
      } else {
      }
      %scan3A_115 = arith.constant 0 : i32
      scf.yield %scan3A_115 : i32
    }
    %scan3A_27 = arith.constant 25 : i32
    %mul3A_28 = arith.constant 100352 : i32
    %mul3A_29 = arith.muli %add3A, %mul3A_28 : i32
    "tpu.region"() ({
      %run_scoped3A = tpu.sem_alloc : memref<!tpu.dma_semaphore, #tpu.memory_space<semaphore_mem>>
      %dma_start3A_30 = tpu.memref_slice %arg4[%mul3A_29] : memref<3211264xf32, #tpu.memory_space<hbm>> -> memref<100352xf32, #tpu.memory_space<hbm>>
      %dma_start3A_31 = tpu.memref_slice %arg4[%mul3A_29] : memref<3211264xf32, #tpu.memory_space<hbm>> -> memref<100352xf32, #tpu.memory_space<hbm>>
      tpu.enqueue_dma source(%arg9 : memref<100352xf32, #tpu.memory_space<vmem>>) target(%dma_start3A_31 : memref<100352xf32, #tpu.memory_space<hbm>>) target_semaphore(%run_scoped3A : memref<!tpu.dma_semaphore, #tpu.memory_space<semaphore_mem>>)
      %dma_wait3A = tpu.memref_slice %arg4[%mul3A_29] : memref<3211264xf32, #tpu.memory_space<hbm>> -> memref<100352xf32, #tpu.memory_space<hbm>>
      %dma_wait3A_32 = tpu.memref_slice %arg4[%mul3A_29] : memref<3211264xf32, #tpu.memory_space<hbm>> -> memref<100352xf32, #tpu.memory_space<hbm>>
      tpu.wait_dma2 semaphore(%run_scoped3A : memref<!tpu.dma_semaphore, #tpu.memory_space<semaphore_mem>>) src(%arg9 : memref<100352xf32, #tpu.memory_space<vmem>>) dst(%dma_wait3A_32 : memref<100352xf32, #tpu.memory_space<hbm>>)
      tpu.yield
    }) : () -> ()
    return
  }
}

</mosaic_0001>

<sc_bundles>
// kernel: _deg_kernel.3.cloned.1.call-start
scs
__scs_entry_jumppad:
0x0: {  	(pc) =	sbr.rel $0x88, $3  }
0x1: {  	(tag) =	ssettag $0x0;
	lr =	simm.s32 $0x1  }
0x2: {  	[smem:$0x3F9F] =	sst lr;
	_ =	strace $0xD0000000  }
0x3: {  	_ = 	snop  }
0x4: {  	_ = 	snop  }
0x5: {  	_ = 	snop  }
0x6: {  	_ = 	snop  }
0x7: {  	_ = 	snop  }
__scs_overlays_trampoline_lowered:
0x8: {  	[smem:$0x3FAE] =	sst s0  }
0x9: {  	[smem:$0x3FAF] =	sst s1  }
0xa: {  	[smem:$0x3FB0] =	sst s2  }
0xb: {  	[smem:$0x3FB1] =	sst s3  }
0xc: {  	[smem:$0x3FB2] =	sst s4  }
0xd: {  	[smem:$0x3FB3] =	sst s5  }
0xe: {  	[smem:$0x3FB4] =	sst s6  }
0xf: {  	[smem:$0x3FB5] =	sst s7  }
0x10: {  	[smem:$0x3FB6] =	sst s8  }
0x11: {  	[smem:$0x3FB7] =	sst s9;
	s0 =	simm.s32 @!p0 $0x0  }
0x12: {  	s1 =	sld [smem:$0x3F9D];
	s0 =	simm.s32 @p0 $0x1  }
0x13: {  	[smem:$0x3FB8] =	sst s0;
	s0 =	simm.s32 @!p1 $0x0  }
0x14: {  	s2 =	sld [smem:$0x3F9C];
	s0 =	simm.s32 @p1 $0x1  }
0x15: {  	[smem:$0x3FB9] =	sst s0;
	s0 =	simm.s32 @!p2 $0x0  }
0x16: {  	s3 =	sld [smem:$0x3FDB];
	s0 =	simm.s32 @p2 $0x1  }
0x17: {  	s4 =	simm.s32 $0x1BF5;
	[smem:$0x3FBB] =	sst s0  }
0x18: {  	s0 =	sld [smem:$0x3F9E];
	_ =	swait.ge [sflag:s4], $0x0  }
0x19: {  	s7 =	sld [smem:$0x3F9F]  }
0x1a: {  	s8 =	sadd.s32 $0xFFFFE003, lr  }
0x1b: {  	s9 =	sadd.s32 $0xFFFFFEF7, lr;
	s5 =	simm.s32 $0xFFFFFFFF;
	p2 =	slt.u32 s8, $0xFFFFF086  }
0x1c: {  	p1 =	slt.u32 s9, $0xF7A;
	s5 =	simm.s32 @!p2 $0x0  }
0x1d: {  	s5 =	simm.s32 @p1 $0x1;
	p0 =	seq.s32 s7, s2  }
0x1e: {  	s7 =	smul.u32 @!p0 $0xF7A, s2;
	p2 =	seq.s32 @!p0 s5, $0x0  }
0x1f: {  	s9 =	smul.u32 $0xF7A, s1;
	s8 =	simm.s32 @!p0 $0x1BF5;
	p2 =	por !p2, p0  }
0x20: {  	[sflag:s8] =	ssyncset.s32 @!p0 $0xFFFFF086;
	s6 =	sadd.s32 @!p0 s3, s7;
	s7 =	simm.s32 @!p0 $0x108  }
0x21: {  	s3 =	sadd.s32 s3, s9;
	s6 =	sadd.s32 @!p0 $0x88, s6;
	s7 =	simm.s32 @p2 $0x1082  }
0x22: {  	[simem:s7], [sflag:s8] =	dma.local @!p0 [hbm:s6], $0xF7A  }
0x23: {  	s9 =	sor.u32 $0xD0000000, s2;
	s6 =	simm.s32 $0x108;
	_ =	swait.ge @!p0 [sflag:s8], $0x0  }
0x24: {  	s3 =	sadd.s32 $0x88, s3;
	s6 =	simm.s32 @!p1 $0x1082;
	[sflag:s4] =	ssyncset.s32 $0xFFFFF086  }
0x25: {  	[simem:s6], [sflag:s4] =	dma.local [hbm:s3], $0xF7A  }
0x26: {  	[smem:$0x3F9F] =	sst s1;
	(tag) =	ssettag s2;
	_ =	strace s9  }
0x27: {  	s1 =	sld [smem:$0x3FAF]  }
0x28: {  	s2 =	sld [smem:$0x3FB0]  }
0x29: {  	s4 =	sld [smem:$0x3FB2]  }
0x2a: {  	p0 =	seq.s32 s5, $0x0;
	s5 =	sld [smem:$0x3FB3]  }
0x2b: {  	s6 =	sld [smem:$0x3FB4]  }
0x2c: {  	s7 =	sld [smem:$0x3FB5]  }
0x2d: {  	s3 =	simm.s32 $0x108;
	s8 =	sld [smem:$0x3FB6]  }
0x2e: {  	s3 =	simm.s32 @!p0 $0x1082;
	s9 =	sld [smem:$0x3FB7]  }
0x2f: {  	lr =	sadd.s32 s0, s3;
	s0 =	sld [smem:$0x3FAE]  }
0x30: {  	s3 =	sld [smem:$0x3FB1]  }
0x31: {  	[smem:$0x3FBA] =	sst s10  }
0x32: {  	s10 =	sld [smem:$0x3FB8];
	_ =	sdelay $0x3  }
0x33: {  	p0 =	seq.s32 s10, $0x1;
	s10 =	sld [smem:$0x3FBA];
	_ =	sdelay $0x3  }
0x34: {  	[smem:$0x3FBA] =	sst s10  }
0x35: {  	s10 =	sld [smem:$0x3FB9];
	_ =	sdelay $0x3  }
0x36: {  	p1 =	seq.s32 s10, $0x1;
	s10 =	sld [smem:$0x3FBA];
	_ =	sdelay $0x3  }
0x37: {  	[smem:$0x3FBA] =	sst s10  }
0x38: {  	s10 =	sld [smem:$0x3FBB]  }
0x39: {  	_ = 	snop;
	(pc) =	sbr.ind lr, $3  }
0x3a: {  	_ = 	snop  }
0x3b: {  	_ = 	snop  }
0x3c: {  	p2 =	seq.s32 s10, $0x1;
	s10 =	sld [smem:$0x3FBA]  }
0x3d: {  	_ =	shalt  }
0x3e: {  	_ =	shalt  }
0x3f: {  	_ =	shalt  }
0x40: {  	_ =	shalt  }
0x41: {  	_ =	shalt  }
0x42: {  	_ =	shalt  }
0x43: {  	_ =	shalt  }
0x44: {  	_ =	shalt  }
0x45: {  	_ =	shalt  }
0x46: {  	_ =	shalt  }
0x47: {  	_ =	shalt  }
0x48: {  	_ =	shalt  }
0x49: {  	_ =	shalt  }
0x4a: {  	_ =	shalt  }
0x4b: {  	_ =	shalt  }
0x4c: {  	_ =	shalt  }
0x4d: {  	_ =	shalt  }
0x4e: {  	_ =	shalt  }
0x4f: {  	_ =	shalt  }
0x50: {  	_ =	shalt  }
0x51: {  	_ =	shalt  }
0x52: {  	_ =	shalt  }
0x53: {  	_ =	shalt  }
0x54: {  	_ =	shalt  }
0x55: {  	_ =	shalt  }
0x56: {  	_ =	shalt  }
0x57: {  	_ =	shalt  }
0x58: {  	_ =	shalt  }
0x59: {  	_ =	shalt  }
0x5a: {  	_ =	shalt  }
0x5b: {  	_ =	shalt  }
0x5c: {  	_ =	shalt  }
0x5d: {  	_ =	shalt  }
0x5e: {  	_ =	shalt  }
0x5f: {  	_ =	shalt  }
0x60: {  	_ =	shalt  }
0x61: {  	_ =	shalt  }
0x62: {  	_ =	shalt  }
0x63: {  	_ =	shalt  }
0x64: {  	_ =	shalt  }
0x65: {  	_ =	shalt  }
0x66: {  	_ =	shalt  }
0x67: {  	_ =	shalt  }
0x68: {  	_ =	shalt  }
0x69: {  	_ =	shalt  }
0x6a: {  	_ =	shalt  }
0x6b: {  	_ =	shalt  }
0x6c: {  	_ =	shalt  }
0x6d: {  	_ =	shalt  }
0x6e: {  	_ =	shalt  }
0x6f: {  	_ =	shalt  }
0x70: {  	_ =	shalt  }
0x71: {  	_ =	shalt  }
0x72: {  	_ =	shalt  }
0x73: {  	_ =	shalt  }
0x74: {  	_ =	shalt  }
0x75: {  	_ =	shalt  }
0x76: {  	_ =	shalt  }
0x77: {  	_ =	shalt  }
0x78: {  	_ =	shalt  }
0x79: {  	_ =	shalt  }
0x7a: {  	_ =	shalt  }
0x7b: {  	_ =	shalt  }
0x7c: {  	_ =	shalt  }
0x7d: {  	_ =	shalt  }
0x7e: {  	_ =	shalt  }
0x7f: {  	_ =	shalt  }
0x80: {  	_ =	shalt  }
0x81: {  	_ =	shalt  }
0x82: {  	_ =	shalt  }
0x83: {  	_ =	shalt  }
0x84: {  	_ =	shalt  }
0x85: {  	_ =	shalt  }
0x86: {  	_ =	shalt  }
0x87: {  	_ =	shalt  }
.Lfunc_end0:
.L_simem_size_0:
called_computation_lowered:
.L_overlay_start_0:
0x88: {  	s2 =	sld [smem:$0x3FD9]  }
0x89: {  	s3 =	sld [smem:$0x3FFE];
	_ =	sdelay $0x1  }
0x8a: {  	s1 =	srdreg.scid  }
0x8b: {  	s0 =	sand.u32 $0x1, s1  }
0x8c: {  	s18 =	sshll.u32 s0, $0xA;
	s2 =	sadd.s32 s3, s2  }
0x8d: {  	s2 =	sadd.s32 s2, s18  }
0x8e: {  	[smem:$0x3FC6] =	sst s2  }
0x8f: {  	_ = 	snop  }
0x90: {  	s2 =	sld [smem:$0x3FC9]  }
0x91: {  	s19 =	sld [smem:$0x3FC8]  }
0x92: {  	s4 =	sld [smem:$0x3FD0];
	(tm) =	ssettm $0x1  }
0x93: {  	s5 =	sld [smem:$0x3FFB];
	_ =	sdelay $0x3  }
0x94: {  	_ =	strace s5  }
0x95: {  	s5 =	sld [smem:$0x3FFC];
	_ =	sdelay $0x3  }
0x96: {  	_ =	strace s5  }
0x97: {  	s5 =	sld [smem:$0x3FFD];
	_ =	sdelay $0x3  }
0x98: {  	_ =	strace s5  }
0x99: {  	_ =	strace $0x8FFFFFFF  }
0x9a: {  	s20 =	sld [smem:$0x3FDB];
	_ =	sdelay $0x1  }
0x9b: {  	s6 =	simm.s32 $_scs_section_size  }
0x9c: {  	s7 =	simm.s32 $_size__tile_overlayer_lowered;
	s8 =	simm.s32 $_tile_overlayer_lowered  }
0x9d: {  	s23 =	simm.s32 $0x1BFF;
	s22 =	sshll.u32 s8, $0x1;
	s5 =	sadd.s32 s6, s20  }
0x9e: {  	s9 =	simm.s32 $0x0;
	s21 =	sshll.u32 s7, $0x1;
	s7 =	sadd.s32 s22, s5  }
0x9f: {  	[timem:s9], [sflag:s23] =	dma.local [hbm:s7], s21  }
0xa0: {  	_ =	swait.ge [sflag:s23], s21  }
0xa1: {  	s6 =	ssub.s32 $0x0, s21;
	[sflag:s23] =	ssyncset.done $0x0  }
0xa2: {  	[sflag:s23] =	ssyncadd.s32 s6;
	_ =	sdelay $0x1  }
0xa3: {  	s24 =	simm.s32 $0x1B8B  }
0xa4: {  	_ =	swait.ge [sflag:s24], $0x1  }
0xa5: {  	[sflag:s24] =	ssyncset.done $0x0  }
0xa6: {  	s25 =	simm.s32 $0x1B8E;
	[sflag:s24] =	ssyncadd.s32 $0xFFFFFFFF  }
0xa7: {  	s26 =	simm.s32 $execute0_lowered;
	[smem:$0x3FD2] =	sst s25  }
0xa8: {  	s6 =	sshll.u32 s26, $0x1;
	_ =	strace $0x80000046;
	[dreg:$0x1] =	wrdreg $0xFFFFFFFF  }
0xa9: {  	s28 =	simm.s32 $_size_execute0_lowered;
	s5 =	sadd.s32 s5, s6;
	[dreg:$0x0] =	wrdreg $0x0  }
0xaa: {  	s6 =	sshll.u32 s28, $0x1;
	[dreg:$0x2] =	wrdreg s5  }
0xab: {  	[dreg:$0x3] =	wrdreg s6  }
0xac: {  	[dreg:$0x4] =	wrdreg $0xC0  }
0xad: {  	_ =	task [dreg:s9], $0x5FFFF  }
0xae: {  	[dreg:$0x1] =	wrdreg $0xFFFFFFFF  }
0xaf: {  	[dreg:$0x0] =	wrdreg $0x60  }
0xb0: {  	[dreg:$0x2] =	wrdreg s2  }
0xb1: {  	[dreg:$0x3] =	wrdreg s19  }
0xb2: {  	[dreg:$0x4] =	wrdreg s4  }
0xb3: {  	[dreg:$0x5] =	wrdreg $0x9  }
0xb4: {  	_ =	task.clear_ibuf [dreg:s9], $0x6FFFF;
	_ =	strace $0x90000046  }
0xb5: {  	s29 =	simm.s32 $0x9;
	_ =	strace $0x80000048  }
0xb6: {  	_ =	swait.ge [sflag:s29], $0x1  }
0xb7: {  	[sflag:s29] =	ssyncadd.s32 $0xFFFFFFFF  }
0xb8: {  	_ =	strace $0x90000048  }
0xb9: {  	_ =	sfence  }
0xba: {  	s30 =	sld [smem:$0x0];
	_ =	sdelay $0x2  }
0xbb: {  	s31 =	sshll.u32 s1, $0xD;
	s1 =	sshrl.u32 s1, $0x2  }
0xbc: {  	s3 =	sand.u32 $0x4000, s31;
	s1 =	sadd.s32 s1, s30  }
0xbd: {  	s0 =	sor.u32 s3, s0;
	s1 =	sshll.u32 s1, $0x11  }
0xbe: {  	s0 =	sor.u32 s1, s0  }
0xbf: {  	s0 =	sadd.s32 $0x8F2B, s0  }
0xc0: {  	[sflag:s0] =	ssyncadd.remote.s32 $0x1  }
0xc1: {  	_ =	sfence.sel $0xFFFF  }
0xc2: {  	[dreg:$0x0] =	wrdreg $0xFFFFFFFF;
	(pc) =	sbr.abs _section_cstart, $3  }
0xc3: {  	[dreg:$0x1] =	wrdreg $0xFFFFFFFF  }
0xc4: {  	_ =	task.clear_ibuf [dreg:s9], $0x2FFFF;
	_ =	strace $0x9FFFFFFF  }
0xc5: {  	(tm) =	ssettm $0x7FFFFFFF  }
tec
execute0_lowered:
.L_overlay_start_1:
0x0: {  	(tag) =	ssettag $0x1  }
0x1: {  	s1 =	rddreg [dreg:$0x0]  }
0x2: {  	s2 =	srdreg.scid;
	s3 =	rddreg [dreg:$0x1]  }
0x3: {  	s0 =	stileid.u32;
	s11 =	rddreg [dreg:$0x2]  }
0x4: {  	s4 =	simm.s32 $0x0;
	s14 =	simm.s32 $0x1000;
	s15 =	simm.s32 $0x3000  }
0x5: {  	s16 =	simm.s32 $0x1;
	s17 =	simm.s32 $0x3;
	s18 =	simm.s32 $0x4000  }
0x6: {  	s19 =	simm.s32 $0x2;
	s5 =	sand.u32 $0x1, s2;
	s31 =	sshll.u32 s0, $0x1  }
0x7: {  	s20 =	simm.s32 $0x4;
	s21 =	simm.s32 $0x5;
	s8 =	sor.u32 s5, s31  }
0x8: {  	s22 =	simm.s32 $0x0;
	s2 =	rddreg [dreg:$0x3];
	s10 =	smul.u32 $0x30D40, s8  }
0x9: {  	[smem:$0x7FF] =	sst s4;
	s5 =	ssub.s32 $0x2, s5;
	s13 =	smul.u32 $0x3100, s8  }
.Ltmp0:
0xa: {  	_ =	strace $0x80000047;
	s6 =	sshrl.u32 s5, $0x1;
	(pc) =	sbr.rel .LBB2_1-.Ltmp0, $4  }
0xb: {  	s12 =	ssub.s32 s5, s6;
	s7 =	sshrl.u32 s10, $0x3;
	s11 =	sadd.s32 s11, s13  }
0xc: {  	s12 =	smax.u32 s12, $0x1;
	s13 =	simm.s32 $0x2000;
	s9 =	sadd.s32 $0x1F4, s7  }
0xd: {  	s5 =	sadd.s32 s1, s7;
	s6 =	sadd.s32 s3, s7;
	s7 =	sadd.s32 s1, s9  }
0xe: {  	v0 =	vimm.f32 $0.0e+00;
	s8 =	sadd.s32 s3, s9;
	s9 =	sadd.s32 $0x1F40, s10;
	s10 =	sadd.s32 $0x2EE0, s10  }
.LBB2_10:
0xf: {  	s22 =	sadd.s32 $0x1, s22  }
0x10: {  	p0 =	sne.s32 s22, s12  }
.Ltmp1:
0x11: {  	_ = 	snop;
	(pc) =	sbr.rel @!p0 .LBB2_11-.Ltmp1, $4  }
0x12: {  	[hbm4b:s11+s4] =	stream.linear.scatter [tilespmem:s18], [sflag:$0x5], $0x18800, $0x38;
	[tilespmem:$0x1C800] =	vst v63  }
0x13: {  	_ =	swait.ge [sflag:s21], $0x18800  }
0x14: {  	[sflag:s21] =	ssyncset.done $0x0  }
0x15: {  	[sflag:s21] =	ssyncadd.s32 $0xFFFE7800  }
.LBB2_1:
0x16: {  	s23 =	simm.s32 $0x4040  }
0x17: {  	[tilespmem:s23+$0xFFFFFFC0] =	vst v0  }
0x18: {  	[tilespmem:s23+$0x30] =	vst v0  }
0x19: {  	[tilespmem:s23+$0x20] =	vst v0  }
0x1a: {  	[tilespmem:s23+$0x10] =	vst v0  }
0x1b: {  	[tilespmem:s23+$0x0] =	vst v0  }
0x1c: {  	[tilespmem:s23+$0xFFFFFFF0] =	vst v0  }
0x1d: {  	s24 =	simm.s32 $0x0;
	[tilespmem:s23+$0xFFFFFFE0] =	vst v0  }
.LBB2_2:
0x1e: {  	s24 =	sadd.s32 $0x8, s24;
	[tilespmem:s23+$0xFFFFFFD0] =	vst v0;
	s23 =	sadd.s32 $0x80, s23  }
0x1f: {  	[tilespmem:s23+$0xFFFFFFC0] =	vst v0;
	p0 =	slt.u32 s24, $0x1878  }
0x20: {  	[tilespmem:s23+$0x30] =	vst v0  }
.Ltmp2:
0x21: {  	[tilespmem:s23+$0x20] =	vst v0;
	(pc) =	sbr.rel @p0 .LBB2_2-.Ltmp2, $4  }
0x22: {  	[tilespmem:s23+$0x10] =	vst v0  }
0x23: {  	[tilespmem:s23+$0x0] =	vst v0  }
0x24: {  	[tilespmem:s23+$0xFFFFFFF0] =	vst v0  }
0x25: {  	[tilespmem:s23+$0xFFFFFFE0] =	vst v0  }
0x26: {  	[tilespmem:s23+$0xFFFFFFD0] =	vst v0;
	s23 =	simm.s32 $0x0  }
0x27: {  	[tilespmem:s23], [sflag:$0x1] =	stream.linear.gather [hbm4b:s5+s23], $0xFA0, $0x38;
	[tilespmem:$0x1C800] =	vst v63  }
0x28: {  	_ = 	snop  }
0x29: {  	[tilespmem:s13], [sflag:$0x3] =	stream.linear.gather [hbm4b:s6+s23], $0xFA0, $0x38;
	[tilespmem:$0x1C800] =	vst v63  }
0x2a: {  	_ = 	snop  }
0x2b: {  	[tilespmem:s14], [sflag:$0x2] =	stream.linear.gather [hbm4b:s7+s23], $0xFA0, $0x38;
	[tilespmem:$0x1C800] =	vst v63  }
0x2c: {  	_ = 	snop  }
0x2d: {  	[tilespmem:s15], [sflag:$0x4] =	stream.linear.gather [hbm4b:s8+s23], $0xFA0, $0x38;
	[tilespmem:$0x1C800] =	vst v63  }
.LBB2_4:
0x2e: {  	_ =	swait.ge [sflag:s16], $0xFA0  }
0x2f: {  	[sflag:s16] =	ssyncset.done $0x0  }
0x30: {  	[sflag:s16] =	ssyncadd.s32 $0xFFFFF060  }
0x31: {  	_ =	swait.ge [sflag:s17], $0xFA0  }
0x32: {  	s24 =	simm.s32 $0xFFFFFFFC;
	[sflag:s17] =	ssyncset.done $0x0  }
0x33: {  	s25 =	simm.s32 $0x2020;
	s26 =	simm.s32 $0x20;
	[sflag:s17] =	ssyncadd.s32 $0xFFFFF060  }
.LBB2_5:
0x34: {  	v1 =	vld [tilespmem:s26+$0xFFFFFFE0];
	_ =	sdelay $0x2  }
0x35: {  	v2 =	vld [tilespmem:s25+$0xFFFFFFE0];
	_ =	sdelay $0x4  }
0x36: {  	[tilespmem:v1+s18+$0x0] =	vst.idx.add.f32.msk $0xffff, v2  }
0x37: {  	v1 =	vld [tilespmem:s26+$0xFFFFFFF0];
	_ =	sdelay $0x2  }
0x38: {  	v2 =	vld [tilespmem:s25+$0xFFFFFFF0];
	_ =	sdelay $0x4  }
0x39: {  	[tilespmem:v1+s18+$0x0] =	vst.idx.add.f32.msk $0xffff, v2  }
0x3a: {  	v1 =	vld [tilespmem:s26+$0x0];
	_ =	sdelay $0x2  }
0x3b: {  	v2 =	vld [tilespmem:s25+$0x0];
	_ =	sdelay $0x4  }
0x3c: {  	[tilespmem:v1+s18+$0x0] =	vst.idx.add.f32.msk $0xffff, v2  }
0x3d: {  	v1 =	vld [tilespmem:s26+$0x10];
	_ =	sdelay $0x1  }
0x3e: {  	s24 =	sadd.s32 $0x4, s24  }
0x3f: {  	p0 =	slt.u32 s24, $0xF4;
	v2 =	vld [tilespmem:s25+$0x10]  }
.Ltmp3:
0x40: {  	_ = 	snop;
	(pc) =	sbr.rel @p0 .LBB2_5-.Ltmp3, $2  }
0x41: {  	_ =	sdelay $0x2  }
0x42: {  	s25 =	sadd.s32 $0x40, s25;
	s26 =	sadd.s32 $0x40, s26;
	[tilespmem:v1+s18+$0x0] =	vst.idx.add.f32.msk $0xffff, v2  }
0x43: {  	v1 =	vld [tilespmem:$0xF80];
	_ =	sdelay $0x2  }
0x44: {  	v2 =	vld [tilespmem:$0x2F80];
	_ =	sdelay $0x4  }
0x45: {  	[tilespmem:v1+s18+$0x0] =	vst.idx.add.f32.msk $0xffff, v2  }
0x46: {  	v1 =	vld [tilespmem:$0xF90];
	_ =	sdelay $0x2  }
0x47: {  	p0 =	seq.s32 s23, $0x18;
	v2 =	vld [tilespmem:$0x2F90]  }
0x48: {  	s24 =	smul.u32 @!p0 $0x1F40, s23;
	_ =	sdelay $0x1  }
0x49: {  	s24 =	sadd.s32 @!p0 s24, s9  }
0x4a: {  	s24 =	sshrl.u32 @!p0 s24, $0x3  }
0x4b: {  	s26 =	simm.s32 @!p0 $0x0;
	s25 =	sadd.s32 @!p0 s1, s24;
	[tilespmem:v1+s18+$0x0] =	vst.idx.add.f32.msk $0xffff, v2  }
0x4c: {  	[tilespmem:s26], [sflag:$0x1] =	stream.linear.gather @!p0 [hbm4b:s25+s26], $0xFA0, $0x38;
	[tilespmem:$0x1C800] =	vst v63  }
0x4d: {  	s24 =	sadd.s32 @!p0 s3, s24;
	s25 =	simm.s32 @!p0 $0x2000  }
0x4e: {  	[tilespmem:s25], [sflag:$0x3] =	stream.linear.gather @!p0 [hbm4b:s24+s26], $0xFA0, $0x38;
	[tilespmem:$0x1C800] =	vst v63  }
0x4f: {  	_ =	swait.ge [sflag:s19], $0xFA0  }
0x50: {  	[sflag:s19] =	ssyncset.done $0x0  }
0x51: {  	[sflag:s19] =	ssyncadd.s32 $0xFFFFF060  }
0x52: {  	_ =	swait.ge [sflag:s20], $0xFA0  }
0x53: {  	s24 =	simm.s32 $0xFFFFFFFC;
	[sflag:s20] =	ssyncset.done $0x0  }
0x54: {  	s25 =	simm.s32 $0x3020;
	s26 =	simm.s32 $0x1020;
	[sflag:s20] =	ssyncadd.s32 $0xFFFFF060  }
.LBB2_7:
0x55: {  	v1 =	vld [tilespmem:s26+$0xFFFFFFE0];
	_ =	sdelay $0x2  }
0x56: {  	v2 =	vld [tilespmem:s25+$0xFFFFFFE0];
	_ =	sdelay $0x4  }
0x57: {  	[tilespmem:v1+s18+$0x0] =	vst.idx.add.f32.msk $0xffff, v2  }
0x58: {  	v1 =	vld [tilespmem:s26+$0xFFFFFFF0];
	_ =	sdelay $0x2  }
0x59: {  	v2 =	vld [tilespmem:s25+$0xFFFFFFF0];
	_ =	sdelay $0x4  }
0x5a: {  	[tilespmem:v1+s18+$0x0] =	vst.idx.add.f32.msk $0xffff, v2  }
0x5b: {  	v1 =	vld [tilespmem:s26+$0x0];
	_ =	sdelay $0x2  }
0x5c: {  	v2 =	vld [tilespmem:s25+$0x0];
	_ =	sdelay $0x4  }
0x5d: {  	[tilespmem:v1+s18+$0x0] =	vst.idx.add.f32.msk $0xffff, v2  }
0x5e: {  	v1 =	vld [tilespmem:s26+$0x10];
	_ =	sdelay $0x1  }
0x5f: {  	s24 =	sadd.s32 $0x4, s24  }
0x60: {  	p1 =	slt.u32 s24, $0xF4;
	v2 =	vld [tilespmem:s25+$0x10]  }
.Ltmp4:
0x61: {  	_ = 	snop;
	(pc) =	sbr.rel @p1 .LBB2_7-.Ltmp4, $2  }
0x62: {  	_ =	sdelay $0x2  }
0x63: {  	s25 =	sadd.s32 $0x40, s25;
	s26 =	sadd.s32 $0x40, s26;
	[tilespmem:v1+s18+$0x0] =	vst.idx.add.f32.msk $0xffff, v2  }
0x64: {  	v1 =	vld [tilespmem:$0x1F80];
	_ =	sdelay $0x2  }
0x65: {  	v2 =	vld [tilespmem:$0x3F80];
	_ =	sdelay $0x4  }
0x66: {  	[tilespmem:v1+s18+$0x0] =	vst.idx.add.f32.msk $0xffff, v2  }
0x67: {  	v1 =	vld [tilespmem:$0x1F90];
	_ =	sdelay $0x2  }
0x68: {  	v2 =	vld [tilespmem:$0x3F90]  }
.Ltmp5:
0x69: {  	_ = 	snop;
	(pc) =	sbr.rel @p0 .LBB2_10-.Ltmp5, $2  }
0x6a: {  	_ =	sdelay $0x2  }
0x6b: {  	[tilespmem:v1+s18+$0x0] =	vst.idx.add.f32.msk $0xffff, v2  }
0x6c: {  	s24 =	smul.u32 $0x1F40, s23;
	_ =	sdelay $0x1  }
0x6d: {  	s24 =	sadd.s32 s24, s10  }
.Ltmp6:
0x6e: {  	s24 =	sshrl.u32 s24, $0x3;
	(pc) =	sbr.rel .LBB2_4-.Ltmp6, $4  }
0x6f: {  	s25 =	sadd.s32 s1, s24  }
0x70: {  	[tilespmem:s14], [sflag:$0x2] =	stream.linear.gather [hbm4b:s25+s4], $0xFA0, $0x38;
	[tilespmem:$0x1C800] =	vst v63  }
0x71: {  	s23 =	sadd.s32 $0x1, s23;
	s24 =	sadd.s32 s3, s24  }
0x72: {  	[tilespmem:s15], [sflag:$0x4] =	stream.linear.gather [hbm4b:s24+s4], $0xFA0, $0x38;
	[tilespmem:$0x1C800] =	vst v63  }
.LBB2_11:
0x73: {  	_ =	sfence.sel $0x180000  }
0x74: {  	[bflag:$0x0] =	sbarrier.arrive $0xFFFF  }
0x75: {  	p0 =	sne.s32 s0, $0x0;
	_ =	strace $0x90000047  }
0x76: {  	s0 =	sadd.s32 @!p0 $0x100000, s2;
	[bflag:$0x2] =	sbarrier.arrive $0xFFFF  }
0x77: {  	[sflag:s0] =	ssyncadd.tile.s32 @!p0 $0x1;
	_ =	shalt  }
.Lfunc_end2:
_tile_overlayer_lowered:
.L_overlay_start_2:
0x78: {  	(tag) =	ssettag $0x2  }
0x79: {  	s0 =	rddreg [dreg:$0x0];
	s2 =	stileid.u32  }
0x7a: {  	s1 =	rddreg [dreg:$0x1];
	p0 =	sne.s32 s2, $0x0  }
0x7b: {  	s3 =	rddreg [dreg:$0x2];
	[bflag:$0x3] =	sbarrier.arrive $0xFFFF;
	s2 =	simm.s32 @!p0 $0x1C05  }
0x7c: {  	[timem:s3], [sflag:s2] =	dma.local @!p0 [hbm:s0], s1  }
0x7d: {  	s0 =	simm.s32 @!p0 $0x5  }
0x7e: {  	_ =	swait.ge @!p0 [sflag:s0], s1  }
0x7f: {  	s1 =	ssub.s32 @!p0 $0x0, s1;
	[sflag:s0] =	ssyncset.done @!p0 $0x0  }
0x80: {  	[sflag:s0] =	ssyncadd.s32 @!p0 s1  }
0x81: {  	[bflag:$0x3] =	sbarrier.arrive $0xFFFF  }
0x82: {  	_ =	shalt  }

</sc_bundles>
